<compile_context>
chip_gen: v7x
topology: tpu7x:2x2x1
jax: 0.10.2.dev20260603
libtpu: 0.0.44.dev20260713+nightly
codegen_flags: <defaults>
</compile_context>

<pallas_src>
import functools

import jax
import jax.numpy as jnp
from jax import lax
from jax.experimental import pallas as pl
from jax.experimental.pallas import tpu as pltpu
from jax.experimental.pallas import tpu_sc as plsc

NC = 2
NS = 16
NW = NC * NS


def _tc_transform(table, w_down, w_up, bm=8000):
    v, d = table.shape
    h = w_down.shape[0]
    assert v % bm == 0

    n_blk = v // bm

    def mm(t_hbm, wd_ref, wu_ref, out_ref, t_vmem, sems):
        i = pl.program_id(0)

        def start_blk(j):
            pltpu.make_async_copy(
                t_hbm.at[pl.ds(j * bm, bm)],
                t_vmem.at[lax.rem(j, 2)], sems.at[lax.rem(j, 2)]).start()

        @pl.when(i == 0)
        def _():
            start_blk(i)

        @pl.when(i + 1 < n_blk)
        def _():
            start_blk(i + 1)

        wc = lax.dot_general(
            wd_ref[...], wu_ref[...], (((0,), (1,)), ((), ())),
            preferred_element_type=jnp.float32)
        pltpu.make_async_copy(
            t_hbm.at[pl.ds(i * bm, bm)],
            t_vmem.at[lax.rem(i, 2)], sems.at[lax.rem(i, 2)]).wait()
        res = lax.dot_general(
            t_vmem[lax.rem(i, 2)], wc, (((1,), (0,)), ((), ())),
            preferred_element_type=jnp.float32)
        out_ref[...] = jnp.concatenate([res, res], axis=1)

    return pl.pallas_call(
        mm,
        grid=(n_blk,),
        in_specs=[
            pl.BlockSpec(memory_space=pl.ANY),
            pl.BlockSpec((h, d), lambda i: (0, 0)),
            pl.BlockSpec((d, h), lambda i: (0, 0)),
        ],
        out_specs=pl.BlockSpec((bm, 2 * d), lambda i: (i, 0)),
        out_shape=jax.ShapeDtypeStruct((v, 2 * d), jnp.float32),
        scratch_shapes=[
            pltpu.VMEM((2, bm, d), jnp.float32),
            pltpu.SemaphoreType.DMA((2,)),
        ],
    )(table, w_down, w_up)


def _sc_gather_wide(table2, idx, chunk=256):
    n = idx.shape[0]
    w = table2.shape[1]
    n_per_w = n // NW
    n_chunks = n_per_w // chunk
    assert n_per_w * NW == n and n_chunks * chunk == n_per_w
    assert n_chunks % 2 == 0 and n_chunks >= 4

    mesh = plsc.VectorSubcoreMesh(
        core_axis_name="c", subcore_axis_name="s",
        num_cores=NC, num_subcores=NS)

    @functools.partial(
        pl.kernel, mesh=mesh,
        out_type=jax.ShapeDtypeStruct((n, w), jnp.float32),
        scratch_types=[
            pltpu.VMEM((n_per_w,), jnp.int32),
            pltpu.VMEM((2, chunk, w), jnp.float32),
            pltpu.SemaphoreType.DMA,
            pltpu.SemaphoreType.DMA,
            pltpu.SemaphoreType.DMA,
        ],
        compiler_params=pltpu.CompilerParams(use_tc_tiling_on_sc=True),
    )
    def gather_kernel(table_hbm, idx_hbm, out_hbm, idx_v, rows_v,
                      gsem0, gsem1, wsem):
        base = lax.axis_index("s") * NC + lax.axis_index("c")
        base = base * n_per_w
        pltpu.sync_copy(idx_hbm.at[pl.ds(base, n_per_w)], idx_v)

        def gather_grp(g, buf, sem):
            return pltpu.async_copy(
                table_hbm.at[idx_v.at[pl.ds(g * chunk, chunk)]],
                rows_v.at[buf], sem)

        def write_grp(g, buf):
            pltpu.async_copy(
                rows_v.at[buf], out_hbm.at[pl.ds(base + g * chunk, chunk)],
                wsem)

        def drain_write(g, buf):
            pltpu.make_async_copy(
                rows_v.at[buf], out_hbm.at[pl.ds(base + g * chunk, chunk)],
                wsem).wait()

        gather_grp(0, 0, gsem0)

        def body(g2, _):
            for sub in (0, 1):
                g = g2 * 2 + sub
                nbuf = (sub + 1) % 2
                nsem = gsem1 if sub == 0 else gsem0

                @pl.when(g + 1 < n_chunks)
                def _():
                    @pl.when(g >= 1)
                    def _():
                        drain_write(g - 1, nbuf)
                    gather_grp(g + 1, nbuf, nsem)

                pltpu.make_async_copy(
                    table_hbm.at[idx_v.at[pl.ds(g * chunk, chunk)]],
                    rows_v.at[sub], gsem0 if sub == 0 else gsem1).wait()
                write_grp(g, sub)
            return 0

        lax.fori_loop(0, n_chunks // 2, body, 0)
        drain_write(n_chunks - 2, 0)
        drain_write(n_chunks - 1, 1)

    return gather_kernel(table2, idx)


def kernel(x, table, W_down, W_up):
    b, l = x.shape
    d = table.shape[1]
    idx = x.reshape(b * l).astype(jnp.int32)
    table2 = _tc_transform(table, W_down, W_up)
    emb_wide = _sc_gather_wide(table2, idx)
    return emb_wide[:, :d].reshape(b, l, d)

# --- scband reference (transcript-rebuilt; emitter-appended) ---
"""Pipeline reference for scband-idencoder-16758962389269 (READ-ONLY COPY).

The authoritative reference and input builder live on the scoring server;
editing this copy changes nothing except your own understanding.
"""

import jax, jax.numpy as jnp
import numpy as np

VOCAB = 1000000
DIM = 64
B = 16384
L = 50

def setup_inputs(seed: int = 0) -> dict:
    key = jax.random.key(seed)
    k1, k2, k3, k4 = jax.random.split(key, 4)
    x = jax.random.randint(k1, (B, L), 0, VOCAB, dtype=jnp.int64) if jax.config.jax_enable_x64 else jax.random.randint(k1, (B, L), 0, VOCAB, dtype=jnp.int32)
    table = jax.random.normal(k2, (VOCAB, DIM), dtype=jnp.float32) * 0.02
    W_down = jax.random.normal(k3, (DIM // 2, DIM), dtype=jnp.float32) * (1.0 / np.sqrt(DIM))
    W_up = jax.random.normal(k4, (DIM, DIM // 2), dtype=jnp.float32) * (1.0 / np.sqrt(DIM // 2))
    return {"x": x, "table": table, "W_down": W_down, "W_up": W_up}

def reference(x, table, W_down, W_up):
    # embedding lookup
    emb = jnp.take(table, x, axis=0)  # [B, L, DIM]
    # plugin downsampling: Linear(out_dim, out_dim//2, bias=False) -> y = x @ W^T
    down = emb @ W_down.T  # [B, L, DIM//2]
    # plugin upsampling
    up = down @ W_up.T  # [B, L, DIM]
    return up

if __name__ == "__main__":
    import jax
    _d = setup_inputs()
    print(jax.jit(kernel)(*tuple(_d.values())))

</pallas_src>

<mosaic_0001>
#map = affine_map<(d0, d1) -> (0, 0)>
#map1 = affine_map<(d0, d1) -> (0)>
module attributes {stable_mosaic.version = 14 : i64} {
  func.func @gather_kernel(%arg0: i32, %arg1: i32, %arg2: memref<1000000x128xf32, #tpu.memory_space<hbm>>, %arg3: memref<819200xi32, #tpu.memory_space<hbm>>, %arg4: memref<819200x128xf32, #tpu.memory_space<hbm>>, %arg5: memref<25600xi32, #tpu.memory_space<vmem>>, %arg6: memref<2x256x128xf32, #tpu.memory_space<vmem>>, %arg7: memref<!tpu.dma_semaphore, #tpu.memory_space<semaphore_mem>>, %arg8: memref<!tpu.dma_semaphore, #tpu.memory_space<semaphore_mem>>, %arg9: memref<!tpu.dma_semaphore, #tpu.memory_space<semaphore_mem>>) attributes {dimension_semantics = [#tpu.dimension_semantics<core_parallel>, #tpu.dimension_semantics<subcore_parallel>], iteration_bounds = array<i64: 2, 16>, scalar_prefetch = 0 : i64, scratch_operands = 5 : i64, tpu.core_type = #tpu.core_type<sc_vector_subcore>, window_params = [{transform_indices = #map}, {transform_indices = #map1}, {transform_indices = #map}]} {
    %mul3A = arith.constant 2 : i32
    %mul3A_0 = arith.muli %arg1, %mul3A : i32
    %add3A = arith.addi %mul3A_0, %arg0 : i32
    %mul3A_1 = arith.constant 25600 : i32
    %mul3A_2 = arith.muli %add3A, %mul3A_1 : i32
    "tpu.region"() ({
      %run_scoped3A = tpu.sem_alloc : memref<!tpu.dma_semaphore, #tpu.memory_space<semaphore_mem>>
      %dma_start3A_47 = tpu.memref_slice %arg3[%mul3A_2] : memref<819200xi32, #tpu.memory_space<hbm>> -> memref<25600xi32, #tpu.memory_space<hbm>>
      %dma_start3A_48 = tpu.memref_slice %arg3[%mul3A_2] : memref<819200xi32, #tpu.memory_space<hbm>> -> memref<25600xi32, #tpu.memory_space<hbm>>
      tpu.enqueue_dma source(%dma_start3A_48 : memref<25600xi32, #tpu.memory_space<hbm>>) target(%arg5 : memref<25600xi32, #tpu.memory_space<vmem>>) target_semaphore(%run_scoped3A : memref<!tpu.dma_semaphore, #tpu.memory_space<semaphore_mem>>)
      %dma_wait3A_49 = tpu.memref_slice %arg3[%mul3A_2] : memref<819200xi32, #tpu.memory_space<hbm>> -> memref<25600xi32, #tpu.memory_space<hbm>>
      %dma_wait3A_50 = tpu.memref_slice %arg3[%mul3A_2] : memref<819200xi32, #tpu.memory_space<hbm>> -> memref<25600xi32, #tpu.memory_space<hbm>>
      tpu.wait_dma2 semaphore(%run_scoped3A : memref<!tpu.dma_semaphore, #tpu.memory_space<semaphore_mem>>) src(%dma_wait3A_50 : memref<25600xi32, #tpu.memory_space<hbm>>) dst(%arg5 : memref<25600xi32, #tpu.memory_space<vmem>>)
      tpu.yield
    }) : () -> ()
    %dma_start3A = arith.constant 0 : i32
    %dma_start3A_3 = arith.constant 0 : i32
    %dma_start3A_4 = arith.constant 0 : i32
    %dma_start3A_5 = tpu.memref_slice %arg6[%dma_start3A, %dma_start3A_3, %dma_start3A_4] : memref<2x256x128xf32, #tpu.memory_space<vmem>> -> memref<1x256x128xf32, #tpu.memory_space<vmem>>
    %dma_start3A_6 = tpu.memref_squeeze %dma_start3A_5 : memref<1x256x128xf32, #tpu.memory_space<vmem>> -> memref<256x128xf32, #tpu.memory_space<vmem>>
    %dma_start3A_7 = arith.constant 0 : i32
    %dma_start3A_8 = tpu.memref_slice %arg5[%dma_start3A_7] : memref<25600xi32, #tpu.memory_space<vmem>> -> memref<256xi32, #tpu.memory_space<vmem>>
    %dma_start3A_9 = arith.constant 0 : i32
    %dma_start3A_10 = arith.constant 0 : i32
    %dma_start3A_11 = tpu.memref_slice %arg2[%dma_start3A_9, %dma_start3A_10] : memref<1000000x128xf32, #tpu.memory_space<hbm>> -> memref<1000000x128xf32, #tpu.memory_space<hbm>>
    tpu.enqueue_indirect_dma source(%dma_start3A_11 : memref<1000000x128xf32, #tpu.memory_space<hbm>>) target(%dma_start3A_6 : memref<256x128xf32, #tpu.memory_space<vmem>>) offsets(%dma_start3A_8 : memref<256xi32, #tpu.memory_space<vmem>>) semaphore(%arg7 : memref<!tpu.dma_semaphore, #tpu.memory_space<semaphore_mem>>)
    %scan3A = arith.constant 0 : i32
    %scan3A_12 = arith.constant 0 : i32
    %scan3A_13 = arith.constant 50 : i32
    %scan3A_14 = arith.addi %scan3A_12, %scan3A_13 : i32
    %scan3A_15 = arith.constant 1 : i32
    %scan3A_16 = scf.for %scan3A_47 = %scan3A_12 to %scan3A_14 step %scan3A_15 iter_args(%scan3A_48 = %scan3A) -> (i32)  : i32 {
      %mul3A_49 = arith.constant 2 : i32
      %mul3A_50 = arith.muli %scan3A_47, %mul3A_49 : i32
      %add3A_51 = arith.constant 0 : i32
      %add3A_52 = arith.addi %mul3A_50, %add3A_51 : i32
      %add3A_53 = arith.constant 1 : i32
      %add3A_54 = arith.addi %add3A_52, %add3A_53 : i32
      %lt3A = arith.constant 100 : i32
      %lt3A_55 = arith.cmpi slt, %add3A_54, %lt3A : i32
      %convert_element_type3A = arith.extui %lt3A_55 : i1 to i32
      %cond3A = arith.constant 0 : i32
      %cond3A_56 = arith.cmpi ne, %convert_element_type3A, %cond3A : i32
      scf.if %cond3A_56 {
        %ge3A = arith.constant 1 : i32
        %ge3A_123 = arith.cmpi sge, %add3A_52, %ge3A : i32
        %convert_element_type3A_124 = arith.extui %ge3A_123 : i1 to i32
        %cond3A_125 = arith.constant 0 : i32
        %cond3A_126 = arith.cmpi ne, %convert_element_type3A_124, %cond3A_125 : i32
        scf.if %cond3A_126 {
          %sub3A = arith.constant 1 : i32
          %sub3A_140 = arith.subi %add3A_52, %sub3A : i32
          %mul3A_141 = arith.constant 256 : i32
          %mul3A_142 = arith.muli %sub3A_140, %mul3A_141 : i32
          %add3A_143 = arith.addi %mul3A_2, %mul3A_142 : i32
          %dma_wait3A_144 = arith.constant 1 : i32
          %dma_wait3A_145 = arith.constant 0 : i32
          %dma_wait3A_146 = arith.constant 0 : i32
          %dma_wait3A_147 = tpu.memref_slice %arg6[%dma_wait3A_144, %dma_wait3A_145, %dma_wait3A_146] : memref<2x256x128xf32, #tpu.memory_space<vmem>> -> memref<1x256x128xf32, #tpu.memory_space<vmem>>
          %dma_wait3A_148 = tpu.memref_squeeze %dma_wait3A_147 : memref<1x256x128xf32, #tpu.memory_space<vmem>> -> memref<256x128xf32, #tpu.memory_space<vmem>>
          %dma_wait3A_149 = arith.constant 0 : i32
          %dma_wait3A_150 = tpu.memref_slice %arg4[%add3A_143, %dma_wait3A_149] : memref<819200x128xf32, #tpu.memory_space<hbm>> -> memref<256x128xf32, #tpu.memory_space<hbm>>
          %dma_wait3A_151 = arith.constant 0 : i32
          %dma_wait3A_152 = tpu.memref_slice %arg4[%add3A_143, %dma_wait3A_151] : memref<819200x128xf32, #tpu.memory_space<hbm>> -> memref<256x128xf32, #tpu.memory_space<hbm>>
          %dma_wait3A_153 = arith.constant 0 : i32
          %dma_wait3A_154 = arith.constant 0 : i32
          %dma_wait3A_155 = tpu.memref_slice %arg6[%dma_wait3A_144, %dma_wait3A_153, %dma_wait3A_154] : memref<2x256x128xf32, #tpu.memory_space<vmem>> -> memref<1x256x128xf32, #tpu.memory_space<vmem>>
          %dma_wait3A_156 = tpu.memref_squeeze %dma_wait3A_155 : memref<1x256x128xf32, #tpu.memory_space<vmem>> -> memref<256x128xf32, #tpu.memory_space<vmem>>
          tpu.wait_dma2 semaphore(%arg9 : memref<!tpu.dma_semaphore, #tpu.memory_space<semaphore_mem>>) src(%dma_wait3A_156 : memref<256x128xf32, #tpu.memory_space<vmem>>) dst(%dma_wait3A_152 : memref<256x128xf32, #tpu.memory_space<hbm>>)
        } else {
        }
        %add3A_127 = arith.constant 1 : i32
        %add3A_128 = arith.addi %add3A_52, %add3A_127 : i32
        %mul3A_129 = arith.constant 256 : i32
        %mul3A_130 = arith.muli %add3A_128, %mul3A_129 : i32
        %dma_start3A_131 = arith.constant 1 : i32
        %dma_start3A_132 = arith.constant 0 : i32
        %dma_start3A_133 = arith.constant 0 : i32
        %dma_start3A_134 = tpu.memref_slice %arg6[%dma_start3A_131, %dma_start3A_132, %dma_start3A_133] : memref<2x256x128xf32, #tpu.memory_space<vmem>> -> memref<1x256x128xf32, #tpu.memory_space<vmem>>
        %dma_start3A_135 = tpu.memref_squeeze %dma_start3A_134 : memref<1x256x128xf32, #tpu.memory_space<vmem>> -> memref<256x128xf32, #tpu.memory_space<vmem>>
        %dma_start3A_136 = tpu.memref_slice %arg5[%mul3A_130] : memref<25600xi32, #tpu.memory_space<vmem>> -> memref<256xi32, #tpu.memory_space<vmem>>
        %dma_start3A_137 = arith.constant 0 : i32
        %dma_start3A_138 = arith.constant 0 : i32
        %dma_start3A_139 = tpu.memref_slice %arg2[%dma_start3A_137, %dma_start3A_138] : memref<1000000x128xf32, #tpu.memory_space<hbm>> -> memref<1000000x128xf32, #tpu.memory_space<hbm>>
        tpu.enqueue_indirect_dma source(%dma_start3A_139 : memref<1000000x128xf32, #tpu.memory_space<hbm>>) target(%dma_start3A_135 : memref<256x128xf32, #tpu.memory_space<vmem>>) offsets(%dma_start3A_136 : memref<256xi32, #tpu.memory_space<vmem>>) semaphore(%arg8 : memref<!tpu.dma_semaphore, #tpu.memory_space<semaphore_mem>>)
      } else {
      }
      %mul3A_57 = arith.constant 256 : i32
      %mul3A_58 = arith.muli %add3A_52, %mul3A_57 : i32
      %dma_wait3A_59 = arith.constant 0 : i32
      %dma_wait3A_60 = arith.constant 0 : i32
      %dma_wait3A_61 = arith.constant 0 : i32
      %dma_wait3A_62 = tpu.memref_slice %arg6[%dma_wait3A_59, %dma_wait3A_60, %dma_wait3A_61] : memref<2x256x128xf32, #tpu.memory_space<vmem>> -> memref<1x256x128xf32, #tpu.memory_space<vmem>>
      %dma_wait3A_63 = tpu.memref_squeeze %dma_wait3A_62 : memref<1x256x128xf32, #tpu.memory_space<vmem>> -> memref<256x128xf32, #tpu.memory_space<vmem>>
      %dma_wait3A_64 = tpu.memref_slice %arg5[%mul3A_58] : memref<25600xi32, #tpu.memory_space<vmem>> -> memref<256xi32, #tpu.memory_space<vmem>>
      %dma_wait3A_65 = arith.constant 0 : i32
      %dma_wait3A_66 = arith.constant 0 : i32
      %dma_wait3A_67 = tpu.memref_slice %arg2[%dma_wait3A_65, %dma_wait3A_66] : memref<1000000x128xf32, #tpu.memory_space<hbm>> -> memref<1000000x128xf32, #tpu.memory_space<hbm>>
      tpu.wait_indirect_dma semaphore(%arg7 : memref<!tpu.dma_semaphore, #tpu.memory_space<semaphore_mem>>) src(%dma_wait3A_67 : memref<1000000x128xf32, #tpu.memory_space<hbm>>) dst(%dma_wait3A_63 : memref<256x128xf32, #tpu.memory_space<vmem>>)
      %mul3A_68 = arith.constant 256 : i32
      %mul3A_69 = arith.muli %add3A_52, %mul3A_68 : i32
      %add3A_70 = arith.addi %mul3A_2, %mul3A_69 : i32
      %dma_start3A_71 = arith.constant 0 : i32
      %dma_start3A_72 = arith.constant 0 : i32
      %dma_start3A_73 = arith.constant 0 : i32
      %dma_start3A_74 = tpu.memref_slice %arg6[%dma_start3A_71, %dma_start3A_72, %dma_start3A_73] : memref<2x256x128xf32, #tpu.memory_space<vmem>> -> memref<1x256x128xf32, #tpu.memory_space<vmem>>
      %dma_start3A_75 = tpu.memref_squeeze %dma_start3A_74 : memref<1x256x128xf32, #tpu.memory_space<vmem>> -> memref<256x128xf32, #tpu.memory_space<vmem>>
      %dma_start3A_76 = arith.constant 0 : i32
      %dma_start3A_77 = tpu.memref_slice %arg4[%add3A_70, %dma_start3A_76] : memref<819200x128xf32, #tpu.memory_space<hbm>> -> memref<256x128xf32, #tpu.memory_space<hbm>>
      %dma_start3A_78 = arith.constant 0 : i32
      %dma_start3A_79 = tpu.memref_slice %arg4[%add3A_70, %dma_start3A_78] : memref<819200x128xf32, #tpu.memory_space<hbm>> -> memref<256x128xf32, #tpu.memory_space<hbm>>
      %dma_start3A_80 = arith.constant 0 : i32
      %dma_start3A_81 = arith.constant 0 : i32
      %dma_start3A_82 = tpu.memref_slice %arg6[%dma_start3A_71, %dma_start3A_80, %dma_start3A_81] : memref<2x256x128xf32, #tpu.memory_space<vmem>> -> memref<1x256x128xf32, #tpu.memory_space<vmem>>
      %dma_start3A_83 = tpu.memref_squeeze %dma_start3A_82 : memref<1x256x128xf32, #tpu.memory_space<vmem>> -> memref<256x128xf32, #tpu.memory_space<vmem>>
      tpu.enqueue_dma source(%dma_start3A_83 : memref<256x128xf32, #tpu.memory_space<vmem>>) target(%dma_start3A_79 : memref<256x128xf32, #tpu.memory_space<hbm>>) target_semaphore(%arg9 : memref<!tpu.dma_semaphore, #tpu.memory_space<semaphore_mem>>)
      %mul3A_84 = arith.constant 2 : i32
      %mul3A_85 = arith.muli %scan3A_47, %mul3A_84 : i32
      %add3A_86 = arith.constant 1 : i32
      %add3A_87 = arith.addi %mul3A_85, %add3A_86 : i32
      %add3A_88 = arith.constant 1 : i32
      %add3A_89 = arith.addi %add3A_87, %add3A_88 : i32
      %lt3A_90 = arith.constant 100 : i32
      %lt3A_91 = arith.cmpi slt, %add3A_89, %lt3A_90 : i32
      %convert_element_type3A_92 = arith.extui %lt3A_91 : i1 to i32
      %cond3A_93 = arith.constant 0 : i32
      %cond3A_94 = arith.cmpi ne, %convert_element_type3A_92, %cond3A_93 : i32
      scf.if %cond3A_94 {
        %ge3A = arith.constant 1 : i32
        %ge3A_123 = arith.cmpi sge, %add3A_87, %ge3A : i32
        %convert_element_type3A_124 = arith.extui %ge3A_123 : i1 to i32
        %cond3A_125 = arith.constant 0 : i32
        %cond3A_126 = arith.cmpi ne, %convert_element_type3A_124, %cond3A_125 : i32
        scf.if %cond3A_126 {
          %sub3A = arith.constant 1 : i32
          %sub3A_140 = arith.subi %add3A_87, %sub3A : i32
          %mul3A_141 = arith.constant 256 : i32
          %mul3A_142 = arith.muli %sub3A_140, %mul3A_141 : i32
          %add3A_143 = arith.addi %mul3A_2, %mul3A_142 : i32
          %dma_wait3A_144 = arith.constant 0 : i32
          %dma_wait3A_145 = arith.constant 0 : i32
          %dma_wait3A_146 = arith.constant 0 : i32
          %dma_wait3A_147 = tpu.memref_slice %arg6[%dma_wait3A_144, %dma_wait3A_145, %dma_wait3A_146] : memref<2x256x128xf32, #tpu.memory_space<vmem>> -> memref<1x256x128xf32, #tpu.memory_space<vmem>>
          %dma_wait3A_148 = tpu.memref_squeeze %dma_wait3A_147 : memref<1x256x128xf32, #tpu.memory_space<vmem>> -> memref<256x128xf32, #tpu.memory_space<vmem>>
          %dma_wait3A_149 = arith.constant 0 : i32
          %dma_wait3A_150 = tpu.memref_slice %arg4[%add3A_143, %dma_wait3A_149] : memref<819200x128xf32, #tpu.memory_space<hbm>> -> memref<256x128xf32, #tpu.memory_space<hbm>>
          %dma_wait3A_151 = arith.constant 0 : i32
          %dma_wait3A_152 = tpu.memref_slice %arg4[%add3A_143, %dma_wait3A_151] : memref<819200x128xf32, #tpu.memory_space<hbm>> -> memref<256x128xf32, #tpu.memory_space<hbm>>
          %dma_wait3A_153 = arith.constant 0 : i32
          %dma_wait3A_154 = arith.constant 0 : i32
          %dma_wait3A_155 = tpu.memref_slice %arg6[%dma_wait3A_144, %dma_wait3A_153, %dma_wait3A_154] : memref<2x256x128xf32, #tpu.memory_space<vmem>> -> memref<1x256x128xf32, #tpu.memory_space<vmem>>
          %dma_wait3A_156 = tpu.memref_squeeze %dma_wait3A_155 : memref<1x256x128xf32, #tpu.memory_space<vmem>> -> memref<256x128xf32, #tpu.memory_space<vmem>>
          tpu.wait_dma2 semaphore(%arg9 : memref<!tpu.dma_semaphore, #tpu.memory_space<semaphore_mem>>) src(%dma_wait3A_156 : memref<256x128xf32, #tpu.memory_space<vmem>>) dst(%dma_wait3A_152 : memref<256x128xf32, #tpu.memory_space<hbm>>)
        } else {
        }
        %add3A_127 = arith.constant 1 : i32
        %add3A_128 = arith.addi %add3A_87, %add3A_127 : i32
        %mul3A_129 = arith.constant 256 : i32
        %mul3A_130 = arith.muli %add3A_128, %mul3A_129 : i32
        %dma_start3A_131 = arith.constant 0 : i32
        %dma_start3A_132 = arith.constant 0 : i32
        %dma_start3A_133 = arith.constant 0 : i32
        %dma_start3A_134 = tpu.memref_slice %arg6[%dma_start3A_131, %dma_start3A_132, %dma_start3A_133] : memref<2x256x128xf32, #tpu.memory_space<vmem>> -> memref<1x256x128xf32, #tpu.memory_space<vmem>>
        %dma_start3A_135 = tpu.memref_squeeze %dma_start3A_134 : memref<1x256x128xf32, #tpu.memory_space<vmem>> -> memref<256x128xf32, #tpu.memory_space<vmem>>
        %dma_start3A_136 = tpu.memref_slice %arg5[%mul3A_130] : memref<25600xi32, #tpu.memory_space<vmem>> -> memref<256xi32, #tpu.memory_space<vmem>>
        %dma_start3A_137 = arith.constant 0 : i32
        %dma_start3A_138 = arith.constant 0 : i32
        %dma_start3A_139 = tpu.memref_slice %arg2[%dma_start3A_137, %dma_start3A_138] : memref<1000000x128xf32, #tpu.memory_space<hbm>> -> memref<1000000x128xf32, #tpu.memory_space<hbm>>
        tpu.enqueue_indirect_dma source(%dma_start3A_139 : memref<1000000x128xf32, #tpu.memory_space<hbm>>) target(%dma_start3A_135 : memref<256x128xf32, #tpu.memory_space<vmem>>) offsets(%dma_start3A_136 : memref<256xi32, #tpu.memory_space<vmem>>) semaphore(%arg7 : memref<!tpu.dma_semaphore, #tpu.memory_space<semaphore_mem>>)
      } else {
      }
      %mul3A_95 = arith.constant 256 : i32
      %mul3A_96 = arith.muli %add3A_87, %mul3A_95 : i32
      %dma_wait3A_97 = arith.constant 1 : i32
      %dma_wait3A_98 = arith.constant 0 : i32
      %dma_wait3A_99 = arith.constant 0 : i32
      %dma_wait3A_100 = tpu.memref_slice %arg6[%dma_wait3A_97, %dma_wait3A_98, %dma_wait3A_99] : memref<2x256x128xf32, #tpu.memory_space<vmem>> -> memref<1x256x128xf32, #tpu.memory_space<vmem>>
      %dma_wait3A_101 = tpu.memref_squeeze %dma_wait3A_100 : memref<1x256x128xf32, #tpu.memory_space<vmem>> -> memref<256x128xf32, #tpu.memory_space<vmem>>
      %dma_wait3A_102 = tpu.memref_slice %arg5[%mul3A_96] : memref<25600xi32, #tpu.memory_space<vmem>> -> memref<256xi32, #tpu.memory_space<vmem>>
      %dma_wait3A_103 = arith.constant 0 : i32
      %dma_wait3A_104 = arith.constant 0 : i32
      %dma_wait3A_105 = tpu.memref_slice %arg2[%dma_wait3A_103, %dma_wait3A_104] : memref<1000000x128xf32, #tpu.memory_space<hbm>> -> memref<1000000x128xf32, #tpu.memory_space<hbm>>
      tpu.wait_indirect_dma semaphore(%arg8 : memref<!tpu.dma_semaphore, #tpu.memory_space<semaphore_mem>>) src(%dma_wait3A_105 : memref<1000000x128xf32, #tpu.memory_space<hbm>>) dst(%dma_wait3A_101 : memref<256x128xf32, #tpu.memory_space<vmem>>)
      %mul3A_106 = arith.constant 256 : i32
      %mul3A_107 = arith.muli %add3A_87, %mul3A_106 : i32
      %add3A_108 = arith.addi %mul3A_2, %mul3A_107 : i32
      %dma_start3A_109 = arith.constant 1 : i32
      %dma_start3A_110 = arith.constant 0 : i32
      %dma_start3A_111 = arith.constant 0 : i32
      %dma_start3A_112 = tpu.memref_slice %arg6[%dma_start3A_109, %dma_start3A_110, %dma_start3A_111] : memref<2x256x128xf32, #tpu.memory_space<vmem>> -> memref<1x256x128xf32, #tpu.memory_space<vmem>>
      %dma_start3A_113 = tpu.memref_squeeze %dma_start3A_112 : memref<1x256x128xf32, #tpu.memory_space<vmem>> -> memref<256x128xf32, #tpu.memory_space<vmem>>
      %dma_start3A_114 = arith.constant 0 : i32
      %dma_start3A_115 = tpu.memref_slice %arg4[%add3A_108, %dma_start3A_114] : memref<819200x128xf32, #tpu.memory_space<hbm>> -> memref<256x128xf32, #tpu.memory_space<hbm>>
      %dma_start3A_116 = arith.constant 0 : i32
      %dma_start3A_117 = tpu.memref_slice %arg4[%add3A_108, %dma_start3A_116] : memref<819200x128xf32, #tpu.memory_space<hbm>> -> memref<256x128xf32, #tpu.memory_space<hbm>>
      %dma_start3A_118 = arith.constant 0 : i32
      %dma_start3A_119 = arith.constant 0 : i32
      %dma_start3A_120 = tpu.memref_slice %arg6[%dma_start3A_109, %dma_start3A_118, %dma_start3A_119] : memref<2x256x128xf32, #tpu.memory_space<vmem>> -> memref<1x256x128xf32, #tpu.memory_space<vmem>>
      %dma_start3A_121 = tpu.memref_squeeze %dma_start3A_120 : memref<1x256x128xf32, #tpu.memory_space<vmem>> -> memref<256x128xf32, #tpu.memory_space<vmem>>
      tpu.enqueue_dma source(%dma_start3A_121 : memref<256x128xf32, #tpu.memory_space<vmem>>) target(%dma_start3A_117 : memref<256x128xf32, #tpu.memory_space<hbm>>) target_semaphore(%arg9 : memref<!tpu.dma_semaphore, #tpu.memory_space<semaphore_mem>>)
      %scan3A_122 = arith.constant 0 : i32
      scf.yield %scan3A_122 : i32
    }
    %scan3A_17 = arith.constant 50 : i32
    %add3A_18 = arith.constant 25088 : i32
    %add3A_19 = arith.addi %mul3A_2, %add3A_18 : i32
    %dma_wait3A = arith.constant 0 : i32
    %dma_wait3A_20 = arith.constant 0 : i32
    %dma_wait3A_21 = arith.constant 0 : i32
    %dma_wait3A_22 = tpu.memref_slice %arg6[%dma_wait3A, %dma_wait3A_20, %dma_wait3A_21] : memref<2x256x128xf32, #tpu.memory_space<vmem>> -> memref<1x256x128xf32, #tpu.memory_space<vmem>>
    %dma_wait3A_23 = tpu.memref_squeeze %dma_wait3A_22 : memref<1x256x128xf32, #tpu.memory_space<vmem>> -> memref<256x128xf32, #tpu.memory_space<vmem>>
    %dma_wait3A_24 = arith.constant 0 : i32
    %dma_wait3A_25 = tpu.memref_slice %arg4[%add3A_19, %dma_wait3A_24] : memref<819200x128xf32, #tpu.memory_space<hbm>> -> memref<256x128xf32, #tpu.memory_space<hbm>>
    %dma_wait3A_26 = arith.constant 0 : i32
    %dma_wait3A_27 = tpu.memref_slice %arg4[%add3A_19, %dma_wait3A_26] : memref<819200x128xf32, #tpu.memory_space<hbm>> -> memref<256x128xf32, #tpu.memory_space<hbm>>
    %dma_wait3A_28 = arith.constant 0 : i32
    %dma_wait3A_29 = arith.constant 0 : i32
    %dma_wait3A_30 = tpu.memref_slice %arg6[%dma_wait3A, %dma_wait3A_28, %dma_wait3A_29] : memref<2x256x128xf32, #tpu.memory_space<vmem>> -> memref<1x256x128xf32, #tpu.memory_space<vmem>>
    %dma_wait3A_31 = tpu.memref_squeeze %dma_wait3A_30 : memref<1x256x128xf32, #tpu.memory_space<vmem>> -> memref<256x128xf32, #tpu.memory_space<vmem>>
    tpu.wait_dma2 semaphore(%arg9 : memref<!tpu.dma_semaphore, #tpu.memory_space<semaphore_mem>>) src(%dma_wait3A_31 : memref<256x128xf32, #tpu.memory_space<vmem>>) dst(%dma_wait3A_27 : memref<256x128xf32, #tpu.memory_space<hbm>>)
    %add3A_32 = arith.constant 25344 : i32
    %add3A_33 = arith.addi %mul3A_2, %add3A_32 : i32
    %dma_wait3A_34 = arith.constant 1 : i32
    %dma_wait3A_35 = arith.constant 0 : i32
    %dma_wait3A_36 = arith.constant 0 : i32
    %dma_wait3A_37 = tpu.memref_slice %arg6[%dma_wait3A_34, %dma_wait3A_35, %dma_wait3A_36] : memref<2x256x128xf32, #tpu.memory_space<vmem>> -> memref<1x256x128xf32, #tpu.memory_space<vmem>>
    %dma_wait3A_38 = tpu.memref_squeeze %dma_wait3A_37 : memref<1x256x128xf32, #tpu.memory_space<vmem>> -> memref<256x128xf32, #tpu.memory_space<vmem>>
    %dma_wait3A_39 = arith.constant 0 : i32
    %dma_wait3A_40 = tpu.memref_slice %arg4[%add3A_33, %dma_wait3A_39] : memref<819200x128xf32, #tpu.memory_space<hbm>> -> memref<256x128xf32, #tpu.memory_space<hbm>>
    %dma_wait3A_41 = arith.constant 0 : i32
    %dma_wait3A_42 = tpu.memref_slice %arg4[%add3A_33, %dma_wait3A_41] : memref<819200x128xf32, #tpu.memory_space<hbm>> -> memref<256x128xf32, #tpu.memory_space<hbm>>
    %dma_wait3A_43 = arith.constant 0 : i32
    %dma_wait3A_44 = arith.constant 0 : i32
    %dma_wait3A_45 = tpu.memref_slice %arg6[%dma_wait3A_34, %dma_wait3A_43, %dma_wait3A_44] : memref<2x256x128xf32, #tpu.memory_space<vmem>> -> memref<1x256x128xf32, #tpu.memory_space<vmem>>
    %dma_wait3A_46 = tpu.memref_squeeze %dma_wait3A_45 : memref<1x256x128xf32, #tpu.memory_space<vmem>> -> memref<256x128xf32, #tpu.memory_space<vmem>>
    tpu.wait_dma2 semaphore(%arg9 : memref<!tpu.dma_semaphore, #tpu.memory_space<semaphore_mem>>) src(%dma_wait3A_46 : memref<256x128xf32, #tpu.memory_space<vmem>>) dst(%dma_wait3A_42 : memref<256x128xf32, #tpu.memory_space<hbm>>)
    return
  }
}

module attributes {stable_mosaic.version = 14 : i64} {
  func.func @mm(%arg0: i32, %arg1: memref<1000000x64xf32, #tpu.memory_space<any>>, %arg2: memref<32x64xf32, #tpu.memory_space<vmem>>, %arg3: memref<64x32xf32, #tpu.memory_space<vmem>>, %arg4: memref<8000x128xf32, #tpu.memory_space<vmem>>, %arg5: memref<2x8000x64xf32, #tpu.memory_space<vmem>>, %arg6: memref<2x!tpu.dma_semaphore, #tpu.memory_space<semaphore_mem>>) attributes {dimension_semantics = [#tpu.dimension_semantics<arbitrary>], iteration_bounds = array<i64: 125>, scalar_prefetch = 0 : i64, scratch_operands = 2 : i64, tpu.core_type = #tpu.core_type<tc>, window_params = [{}, {pipeline_mode = #tpu.pipeline_mode<synchronous>, transform_indices = @transform_1, window_bounds = array<i64: 32, 64>}, {pipeline_mode = #tpu.pipeline_mode<synchronous>, transform_indices = @transform_2, window_bounds = array<i64: 64, 32>}, {transform_indices = @transform_3, window_bounds = array<i64: 8000, 128>}]} {
    %eq3A = arith.constant 0 : i32
    %eq3A_0 = arith.cmpi eq, %arg0, %eq3A : i32
    %convert_element_type3A = arith.extui %eq3A_0 : i1 to i32
    %cond3A = arith.constant 0 : i32
    %cond3A_1 = arith.cmpi ne, %convert_element_type3A, %cond3A : i32
    scf.if %cond3A_1 {
      %mul3A_35 = arith.constant 8000 : i32
      %mul3A_36 = arith.muli %arg0, %mul3A_35 : i32
      %rem3A_37 = arith.constant 2 : i32
      %rem3A_38 = arith.remsi %arg0, %rem3A_37 : i32
      %rem3A_39 = arith.constant 2 : i32
      %rem3A_40 = arith.remsi %arg0, %rem3A_39 : i32
      %dma_start3A = tpu.memref_slice %arg6[%rem3A_40] : memref<2x!tpu.dma_semaphore, #tpu.memory_space<semaphore_mem>> -> memref<1x!tpu.dma_semaphore, #tpu.memory_space<semaphore_mem>>
      %dma_start3A_41 = tpu.memref_squeeze %dma_start3A : memref<1x!tpu.dma_semaphore, #tpu.memory_space<semaphore_mem>> -> memref<!tpu.dma_semaphore, #tpu.memory_space<semaphore_mem>>
      %dma_start3A_42 = arith.constant 0 : i32
      %dma_start3A_43 = arith.constant 0 : i32
      %dma_start3A_44 = tpu.memref_slice %arg5[%rem3A_38, %dma_start3A_42, %dma_start3A_43] : memref<2x8000x64xf32, #tpu.memory_space<vmem>> -> memref<1x8000x64xf32, #tpu.memory_space<vmem>>
      %dma_start3A_45 = tpu.memref_squeeze %dma_start3A_44 : memref<1x8000x64xf32, #tpu.memory_space<vmem>> -> memref<8000x64xf32, #tpu.memory_space<vmem>>
      %dma_start3A_46 = arith.constant 0 : i32
      %dma_start3A_47 = tpu.memref_slice %arg1[%mul3A_36, %dma_start3A_46] : memref<1000000x64xf32, #tpu.memory_space<any>> -> memref<8000x64xf32, #tpu.memory_space<any>>
      tpu.enqueue_dma source(%dma_start3A_47 : memref<8000x64xf32, #tpu.memory_space<any>>) target(%dma_start3A_45 : memref<8000x64xf32, #tpu.memory_space<vmem>>) target_semaphore(%dma_start3A_41 : memref<!tpu.dma_semaphore, #tpu.memory_space<semaphore_mem>>)
    } else {
    }
    %add3A = arith.constant 1 : i32
    %add3A_2 = arith.addi %arg0, %add3A : i32
    %lt3A = arith.constant 125 : i32
    %lt3A_3 = arith.cmpi slt, %add3A_2, %lt3A : i32
    %convert_element_type3A_4 = arith.extui %lt3A_3 : i1 to i32
    %cond3A_5 = arith.constant 0 : i32
    %cond3A_6 = arith.cmpi ne, %convert_element_type3A_4, %cond3A_5 : i32
    scf.if %cond3A_6 {
      %add3A_35 = arith.constant 1 : i32
      %add3A_36 = arith.addi %arg0, %add3A_35 : i32
      %mul3A_37 = arith.constant 8000 : i32
      %mul3A_38 = arith.muli %add3A_36, %mul3A_37 : i32
      %rem3A_39 = arith.constant 2 : i32
      %rem3A_40 = arith.remsi %add3A_36, %rem3A_39 : i32
      %rem3A_41 = arith.constant 2 : i32
      %rem3A_42 = arith.remsi %add3A_36, %rem3A_41 : i32
      %dma_start3A = tpu.memref_slice %arg6[%rem3A_42] : memref<2x!tpu.dma_semaphore, #tpu.memory_space<semaphore_mem>> -> memref<1x!tpu.dma_semaphore, #tpu.memory_space<semaphore_mem>>
      %dma_start3A_43 = tpu.memref_squeeze %dma_start3A : memref<1x!tpu.dma_semaphore, #tpu.memory_space<semaphore_mem>> -> memref<!tpu.dma_semaphore, #tpu.memory_space<semaphore_mem>>
      %dma_start3A_44 = arith.constant 0 : i32
      %dma_start3A_45 = arith.constant 0 : i32
      %dma_start3A_46 = tpu.memref_slice %arg5[%rem3A_40, %dma_start3A_44, %dma_start3A_45] : memref<2x8000x64xf32, #tpu.memory_space<vmem>> -> memref<1x8000x64xf32, #tpu.memory_space<vmem>>
      %dma_start3A_47 = tpu.memref_squeeze %dma_start3A_46 : memref<1x8000x64xf32, #tpu.memory_space<vmem>> -> memref<8000x64xf32, #tpu.memory_space<vmem>>
      %dma_start3A_48 = arith.constant 0 : i32
      %dma_start3A_49 = tpu.memref_slice %arg1[%mul3A_38, %dma_start3A_48] : memref<1000000x64xf32, #tpu.memory_space<any>> -> memref<8000x64xf32, #tpu.memory_space<any>>
      tpu.enqueue_dma source(%dma_start3A_49 : memref<8000x64xf32, #tpu.memory_space<any>>) target(%dma_start3A_47 : memref<8000x64xf32, #tpu.memory_space<vmem>>) target_semaphore(%dma_start3A_43 : memref<!tpu.dma_semaphore, #tpu.memory_space<semaphore_mem>>)
    } else {
    }
    %get3A = arith.constant 0 : index
    %get3A_7 = arith.constant 0 : index
    %get3A_8 = vector.load %arg2[%get3A, %get3A_7] : memref<32x64xf32, #tpu.memory_space<vmem>>, vector<32x64xf32>
    %get3A_9 = arith.constant 0 : index
    %get3A_10 = arith.constant 0 : index
    %get3A_11 = vector.load %arg3[%get3A_9, %get3A_10] : memref<64x32xf32, #tpu.memory_space<vmem>>, vector<64x32xf32>
    %dot_general3A = arith.constant dense<0.000000e+00> : vector<64x64xf32>
    %dot_general3A_12 = tpu.matmul %get3A_8, %get3A_11, %dot_general3A {dimension_numbers = #tpu.dot_dimension_numbers<[0], [1], [1], [0], [0, 1, 1, 0], [], []>, transpose_lhs_hint = false} : vector<32x64xf32>, vector<64x32xf32>, vector<64x64xf32> -> vector<64x64xf32>
    %mul3A = arith.constant 8000 : i32
    %mul3A_13 = arith.muli %arg0, %mul3A : i32
    %rem3A = arith.constant 2 : i32
    %rem3A_14 = arith.remsi %arg0, %rem3A : i32
    %rem3A_15 = arith.constant 2 : i32
    %rem3A_16 = arith.remsi %arg0, %rem3A_15 : i32
    %dma_wait3A = tpu.memref_slice %arg6[%rem3A_16] : memref<2x!tpu.dma_semaphore, #tpu.memory_space<semaphore_mem>> -> memref<1x!tpu.dma_semaphore, #tpu.memory_space<semaphore_mem>>
    %dma_wait3A_17 = tpu.memref_squeeze %dma_wait3A : memref<1x!tpu.dma_semaphore, #tpu.memory_space<semaphore_mem>> -> memref<!tpu.dma_semaphore, #tpu.memory_space<semaphore_mem>>
    %dma_wait3A_18 = arith.constant 0 : i32
    %dma_wait3A_19 = arith.constant 0 : i32
    %dma_wait3A_20 = tpu.memref_slice %arg5[%rem3A_14, %dma_wait3A_18, %dma_wait3A_19] : memref<2x8000x64xf32, #tpu.memory_space<vmem>> -> memref<1x8000x64xf32, #tpu.memory_space<vmem>>
    %dma_wait3A_21 = tpu.memref_squeeze %dma_wait3A_20 : memref<1x8000x64xf32, #tpu.memory_space<vmem>> -> memref<8000x64xf32, #tpu.memory_space<vmem>>
    %dma_wait3A_22 = arith.constant 0 : i32
    %dma_wait3A_23 = tpu.memref_slice %arg1[%mul3A_13, %dma_wait3A_22] : memref<1000000x64xf32, #tpu.memory_space<any>> -> memref<8000x64xf32, #tpu.memory_space<any>>
    tpu.wait_dma2 semaphore(%dma_wait3A_17 : memref<!tpu.dma_semaphore, #tpu.memory_space<semaphore_mem>>) src(%dma_wait3A_23 : memref<8000x64xf32, #tpu.memory_space<any>>) dst(%dma_wait3A_21 : memref<8000x64xf32, #tpu.memory_space<vmem>>)
    %rem3A_24 = arith.constant 2 : i32
    %rem3A_25 = arith.remsi %arg0, %rem3A_24 : i32
    %get3A_26 = arith.index_cast %rem3A_25 : i32 to index
    %get3A_27 = arith.constant 0 : index
    %get3A_28 = arith.constant 0 : index
    %get3A_29 = vector.load %arg5[%get3A_26, %get3A_27, %get3A_28] : memref<2x8000x64xf32, #tpu.memory_space<vmem>>, vector<1x8000x64xf32>
    %get3A_30 = vector.shape_cast %get3A_29 : vector<1x8000x64xf32> to vector<8000x64xf32>
    %dot_general3A_31 = arith.constant dense<0.000000e+00> : vector<8000x64xf32>
    %dot_general3A_32 = tpu.matmul %get3A_30, %dot_general3A_12, %dot_general3A_31 {dimension_numbers = #tpu.dot_dimension_numbers<[1], [0], [0], [1], [0, 0, 1, 1], [], []>, transpose_lhs_hint = false} : vector<8000x64xf32>, vector<64x64xf32>, vector<8000x64xf32> -> vector<8000x64xf32>
    %concatenate3A = tpu.concatenate %dot_general3A_32, %dot_general3A_32 in 1 : vector<8000x64xf32>, vector<8000x64xf32> -> vector<8000x128xf32>
    %swap3A = arith.constant 0 : index
    %swap3A_33 = arith.constant 0 : index
    %swap3A_34 = vector.load %arg4[%swap3A, %swap3A_33] : memref<8000x128xf32, #tpu.memory_space<vmem>>, vector<8000x128xf32>
    tpu.vector_store %arg4[%swap3A, %swap3A_33], %concatenate3A {strides = array<i32>} : memref<8000x128xf32, #tpu.memory_space<vmem>>, vector<8000x128xf32>,
    return
  }
  func.func @transform_1(%arg0: i32) -> (i32, i32) {
    %c0_i32 = arith.constant 0 : i32
    %c0_i32_0 = arith.constant 0 : i32
    %c0_i32_1 = arith.constant 0 : i32
    return %c0_i32, %c0_i32_0 : i32, i32
  }
  func.func @transform_2(%arg0: i32) -> (i32, i32) {
    %c0_i32 = arith.constant 0 : i32
    %c0_i32_0 = arith.constant 0 : i32
    %c0_i32_1 = arith.constant 0 : i32
    return %c0_i32, %c0_i32_0 : i32, i32
  }
  func.func @transform_3(%arg0: i32) -> (i32, i32) {
    %c0_i32 = arith.constant 0 : i32
    %c0_i32_0 = arith.constant 0 : i32
    return %arg0, %c0_i32 : i32, i32
  }
}

</mosaic_0001>

<sc_bundles>
// kernel: kernel.4.cloned.1.call-start
scs
__scs_entry_jumppad:
0x0: {  	(pc) =	sbr.rel $0x88, $3  }
0x1: {  	(tag) =	ssettag $0x0;
	lr =	simm.s32 $0x1  }
0x2: {  	[smem:$0x3F9D] =	sst lr;
	_ =	strace $0xD0000000  }
0x3: {  	_ = 	snop  }
0x4: {  	_ = 	snop  }
0x5: {  	_ = 	snop  }
0x6: {  	_ = 	snop  }
0x7: {  	_ = 	snop  }
__scs_overlays_trampoline_lowered:
0x8: {  	[smem:$0x3FAC] =	sst s0  }
0x9: {  	[smem:$0x3FAD] =	sst s1  }
0xa: {  	[smem:$0x3FAE] =	sst s2  }
0xb: {  	[smem:$0x3FAF] =	sst s3  }
0xc: {  	[smem:$0x3FB0] =	sst s4  }
0xd: {  	[smem:$0x3FB1] =	sst s5  }
0xe: {  	[smem:$0x3FB2] =	sst s6  }
0xf: {  	[smem:$0x3FB3] =	sst s7  }
0x10: {  	[smem:$0x3FB4] =	sst s8  }
0x11: {  	[smem:$0x3FB5] =	sst s9;
	s0 =	simm.s32 @!p0 $0x0  }
0x12: {  	s1 =	sld [smem:$0x3F9B];
	s0 =	simm.s32 @p0 $0x1  }
0x13: {  	[smem:$0x3FB6] =	sst s0;
	s0 =	simm.s32 @!p1 $0x0  }
0x14: {  	s2 =	sld [smem:$0x3F9A];
	s0 =	simm.s32 @p1 $0x1  }
0x15: {  	[smem:$0x3FB7] =	sst s0;
	s0 =	simm.s32 @!p2 $0x0  }
0x16: {  	s3 =	sld [smem:$0x3FDB];
	s0 =	simm.s32 @p2 $0x1  }
0x17: {  	s4 =	simm.s32 $0x1BF5;
	[smem:$0x3FB9] =	sst s0  }
0x18: {  	s0 =	sld [smem:$0x3F9C];
	_ =	swait.ge [sflag:s4], $0x0  }
0x19: {  	s7 =	sld [smem:$0x3F9D]  }
0x1a: {  	s8 =	sadd.s32 $0xFFFFE003, lr  }
0x1b: {  	s9 =	sadd.s32 $0xFFFFFEF7, lr;
	s5 =	simm.s32 $0xFFFFFFFF;
	p2 =	slt.u32 s8, $0xFFFFF086  }
0x1c: {  	p1 =	slt.u32 s9, $0xF7A;
	s5 =	simm.s32 @!p2 $0x0  }
0x1d: {  	s5 =	simm.s32 @p1 $0x1;
	p0 =	seq.s32 s7, s2  }
0x1e: {  	s7 =	smul.u32 @!p0 $0xF7A, s2;
	p2 =	seq.s32 @!p0 s5, $0x0  }
0x1f: {  	s9 =	smul.u32 $0xF7A, s1;
	s8 =	simm.s32 @!p0 $0x1BF5;
	p2 =	por !p2, p0  }
0x20: {  	[sflag:s8] =	ssyncset.s32 @!p0 $0xFFFFF086;
	s6 =	sadd.s32 @!p0 s3, s7;
	s7 =	simm.s32 @!p0 $0x108  }
0x21: {  	s3 =	sadd.s32 s3, s9;
	s6 =	sadd.s32 @!p0 $0x88, s6;
	s7 =	simm.s32 @p2 $0x1082  }
0x22: {  	[simem:s7], [sflag:s8] =	dma.local @!p0 [hbm:s6], $0xF7A  }
0x23: {  	s9 =	sor.u32 $0xD0000000, s2;
	s6 =	simm.s32 $0x108;
	_ =	swait.ge @!p0 [sflag:s8], $0x0  }
0x24: {  	s3 =	sadd.s32 $0x88, s3;
	s6 =	simm.s32 @!p1 $0x1082;
	[sflag:s4] =	ssyncset.s32 $0xFFFFF086  }
0x25: {  	[simem:s6], [sflag:s4] =	dma.local [hbm:s3], $0xF7A  }
0x26: {  	[smem:$0x3F9D] =	sst s1;
	(tag) =	ssettag s2;
	_ =	strace s9  }
0x27: {  	s1 =	sld [smem:$0x3FAD]  }
0x28: {  	s2 =	sld [smem:$0x3FAE]  }
0x29: {  	s4 =	sld [smem:$0x3FB0]  }
0x2a: {  	p0 =	seq.s32 s5, $0x0;
	s5 =	sld [smem:$0x3FB1]  }
0x2b: {  	s6 =	sld [smem:$0x3FB2]  }
0x2c: {  	s7 =	sld [smem:$0x3FB3]  }
0x2d: {  	s3 =	simm.s32 $0x108;
	s8 =	sld [smem:$0x3FB4]  }
0x2e: {  	s3 =	simm.s32 @!p0 $0x1082;
	s9 =	sld [smem:$0x3FB5]  }
0x2f: {  	lr =	sadd.s32 s0, s3;
	s0 =	sld [smem:$0x3FAC]  }
0x30: {  	s3 =	sld [smem:$0x3FAF]  }
0x31: {  	[smem:$0x3FB8] =	sst s10  }
0x32: {  	s10 =	sld [smem:$0x3FB6];
	_ =	sdelay $0x3  }
0x33: {  	p0 =	seq.s32 s10, $0x1;
	s10 =	sld [smem:$0x3FB8];
	_ =	sdelay $0x3  }
0x34: {  	[smem:$0x3FB8] =	sst s10  }
0x35: {  	s10 =	sld [smem:$0x3FB7];
	_ =	sdelay $0x3  }
0x36: {  	p1 =	seq.s32 s10, $0x1;
	s10 =	sld [smem:$0x3FB8];
	_ =	sdelay $0x3  }
0x37: {  	[smem:$0x3FB8] =	sst s10  }
0x38: {  	s10 =	sld [smem:$0x3FB9]  }
0x39: {  	_ = 	snop;
	(pc) =	sbr.ind lr, $3  }
0x3a: {  	_ = 	snop  }
0x3b: {  	_ = 	snop  }
0x3c: {  	p2 =	seq.s32 s10, $0x1;
	s10 =	sld [smem:$0x3FB8]  }
0x3d: {  	_ =	shalt  }
0x3e: {  	_ =	shalt  }
0x3f: {  	_ =	shalt  }
0x40: {  	_ =	shalt  }
0x41: {  	_ =	shalt  }
0x42: {  	_ =	shalt  }
0x43: {  	_ =	shalt  }
0x44: {  	_ =	shalt  }
0x45: {  	_ =	shalt  }
0x46: {  	_ =	shalt  }
0x47: {  	_ =	shalt  }
0x48: {  	_ =	shalt  }
0x49: {  	_ =	shalt  }
0x4a: {  	_ =	shalt  }
0x4b: {  	_ =	shalt  }
0x4c: {  	_ =	shalt  }
0x4d: {  	_ =	shalt  }
0x4e: {  	_ =	shalt  }
0x4f: {  	_ =	shalt  }
0x50: {  	_ =	shalt  }
0x51: {  	_ =	shalt  }
0x52: {  	_ =	shalt  }
0x53: {  	_ =	shalt  }
0x54: {  	_ =	shalt  }
0x55: {  	_ =	shalt  }
0x56: {  	_ =	shalt  }
0x57: {  	_ =	shalt  }
0x58: {  	_ =	shalt  }
0x59: {  	_ =	shalt  }
0x5a: {  	_ =	shalt  }
0x5b: {  	_ =	shalt  }
0x5c: {  	_ =	shalt  }
0x5d: {  	_ =	shalt  }
0x5e: {  	_ =	shalt  }
0x5f: {  	_ =	shalt  }
0x60: {  	_ =	shalt  }
0x61: {  	_ =	shalt  }
0x62: {  	_ =	shalt  }
0x63: {  	_ =	shalt  }
0x64: {  	_ =	shalt  }
0x65: {  	_ =	shalt  }
0x66: {  	_ =	shalt  }
0x67: {  	_ =	shalt  }
0x68: {  	_ =	shalt  }
0x69: {  	_ =	shalt  }
0x6a: {  	_ =	shalt  }
0x6b: {  	_ =	shalt  }
0x6c: {  	_ =	shalt  }
0x6d: {  	_ =	shalt  }
0x6e: {  	_ =	shalt  }
0x6f: {  	_ =	shalt  }
0x70: {  	_ =	shalt  }
0x71: {  	_ =	shalt  }
0x72: {  	_ =	shalt  }
0x73: {  	_ =	shalt  }
0x74: {  	_ =	shalt  }
0x75: {  	_ =	shalt  }
0x76: {  	_ =	shalt  }
0x77: {  	_ =	shalt  }
0x78: {  	_ =	shalt  }
0x79: {  	_ =	shalt  }
0x7a: {  	_ =	shalt  }
0x7b: {  	_ =	shalt  }
0x7c: {  	_ =	shalt  }
0x7d: {  	_ =	shalt  }
0x7e: {  	_ =	shalt  }
0x7f: {  	_ =	shalt  }
0x80: {  	_ =	shalt  }
0x81: {  	_ =	shalt  }
0x82: {  	_ =	shalt  }
0x83: {  	_ =	shalt  }
0x84: {  	_ =	shalt  }
0x85: {  	_ =	shalt  }
0x86: {  	_ =	shalt  }
0x87: {  	_ =	shalt  }
.Lfunc_end0:
.L_simem_size_0:
called_computation.1_lowered:
.L_overlay_start_0:
0x88: {  	s2 =	sld [smem:$0x3FD9]  }
0x89: {  	s3 =	sld [smem:$0x3FFE];
	_ =	sdelay $0x1  }
0x8a: {  	s1 =	srdreg.scid  }
0x8b: {  	s0 =	sand.u32 $0x1, s1  }
0x8c: {  	s17 =	sshll.u32 s0, $0xA;
	s2 =	sadd.s32 s3, s2  }
0x8d: {  	s2 =	sadd.s32 s2, s17  }
0x8e: {  	[smem:$0x3FC4] =	sst s2  }
0x8f: {  	_ = 	snop  }
0x90: {  	s2 =	sld [smem:$0x3FD0];
	(tm) =	ssettm $0x1  }
0x91: {  	s18 =	sld [smem:$0x3FFB];
	_ =	sdelay $0x3  }
0x92: {  	_ =	strace s18  }
0x93: {  	s3 =	sld [smem:$0x3FFC];
	_ =	sdelay $0x3  }
0x94: {  	_ =	strace s3  }
0x95: {  	s3 =	sld [smem:$0x3FFD];
	_ =	sdelay $0x3  }
0x96: {  	_ =	strace s3  }
0x97: {  	_ =	strace $0x8FFFFFFF  }
0x98: {  	s19 =	sld [smem:$0x3FDB];
	_ =	sdelay $0x1  }
0x99: {  	s4 =	simm.s32 $_scs_section_size  }
0x9a: {  	s5 =	simm.s32 $_size__tile_overlayer_lowered;
	s6 =	simm.s32 $_tile_overlayer_lowered  }
0x9b: {  	s22 =	simm.s32 $0x1BFF;
	s21 =	sshll.u32 s6, $0x1;
	s3 =	sadd.s32 s4, s19  }
0x9c: {  	s7 =	simm.s32 $0x0;
	s20 =	sshll.u32 s5, $0x1;
	s5 =	sadd.s32 s21, s3  }
0x9d: {  	[timem:s7], [sflag:s22] =	dma.local [hbm:s5], s20  }
0x9e: {  	_ =	swait.ge [sflag:s22], s20  }
0x9f: {  	s4 =	ssub.s32 $0x0, s20;
	[sflag:s22] =	ssyncset.done $0x0  }
0xa0: {  	[sflag:s22] =	ssyncadd.s32 s4;
	_ =	sdelay $0x1  }
0xa1: {  	s23 =	simm.s32 $0x1B8B  }
0xa2: {  	_ =	swait.ge [sflag:s23], $0x1  }
0xa3: {  	[sflag:s23] =	ssyncset.done $0x0  }
0xa4: {  	s25 =	simm.s32 $0x1B8E;
	s24 =	sld [smem:$0x3FFE];
	[sflag:s23] =	ssyncadd.s32 $0xFFFFFFFF  }
0xa5: {  	s26 =	simm.s32 $execute0_lowered;
	[smem:$0x3FD2] =	sst s25  }
0xa6: {  	s5 =	sshll.u32 s26, $0x1;
	_ =	strace $0x80000046;
	[dreg:$0x1] =	wrdreg $0xFFFFFFFF  }
0xa7: {  	s28 =	simm.s32 $_size_execute0_lowered;
	s3 =	sadd.s32 s3, s5;
	[dreg:$0x0] =	wrdreg $0x0  }
0xa8: {  	s5 =	sshll.u32 s28, $0x1;
	[dreg:$0x2] =	wrdreg s3  }
0xa9: {  	[dreg:$0x3] =	wrdreg s5  }
0xaa: {  	[dreg:$0x4] =	wrdreg $0xC0  }
0xab: {  	_ =	task [dreg:s7], $0x5FFFF  }
0xac: {  	[dreg:$0x1] =	wrdreg $0xFFFFFFFF  }
0xad: {  	[dreg:$0x0] =	wrdreg $0x60  }
0xae: {  	[dreg:$0x2] =	wrdreg s24  }
0xaf: {  	[dreg:$0x3] =	wrdreg s2  }
0xb0: {  	[dreg:$0x4] =	wrdreg $0x9  }
0xb1: {  	_ =	task.clear_ibuf [dreg:s7], $0x5FFFF;
	_ =	strace $0x90000046  }
0xb2: {  	s29 =	simm.s32 $0x9;
	_ =	strace $0x80000048  }
0xb3: {  	_ =	swait.ge [sflag:s29], $0x1  }
0xb4: {  	[sflag:s29] =	ssyncadd.s32 $0xFFFFFFFF  }
0xb5: {  	_ =	strace $0x90000048  }
0xb6: {  	_ =	sfence  }
0xb7: {  	s30 =	sld [smem:$0x0];
	_ =	sdelay $0x2  }
0xb8: {  	s31 =	sshll.u32 s1, $0xD;
	s1 =	sshrl.u32 s1, $0x2  }
0xb9: {  	s3 =	sand.u32 $0x4000, s31;
	s1 =	sadd.s32 s1, s30  }
0xba: {  	s0 =	sor.u32 s3, s0;
	s1 =	sshll.u32 s1, $0x11  }
0xbb: {  	s0 =	sor.u32 s1, s0  }
0xbc: {  	s0 =	sadd.s32 $0x8F2B, s0  }
0xbd: {  	[sflag:s0] =	ssyncadd.remote.s32 $0x1  }
0xbe: {  	_ =	sfence.sel $0xFFFF  }
0xbf: {  	[dreg:$0x0] =	wrdreg $0xFFFFFFFF;
	(pc) =	sbr.abs _section_cstart, $3  }
0xc0: {  	[dreg:$0x1] =	wrdreg $0xFFFFFFFF  }
0xc1: {  	_ =	task.clear_ibuf [dreg:s7], $0x2FFFF;
	_ =	strace $0x9FFFFFFF  }
0xc2: {  	(tm) =	ssettm $0x7FFFFFFF  }
0xc3: {  	_ =	shalt  }
tec
execute0_lowered:
.L_overlay_start_1:
0x0: {  	(tag) =	ssettag $0x1  }
0x1: {  	s4 =	rddreg [dreg:$0x0]  }
0x2: {  	s5 =	rddreg [dreg:$0x1]  }
0x3: {  	s0 =	rddreg [dreg:$0x2]  }
0x4: {  	s3 =	srdreg.scid;
	s1 =	stileid.u32  }
0x5: {  	s2 =	simm.s32 $0x0;
	s13 =	simm.s32 $0x100;
	s14 =	simm.s32 $0x6400  }
0x6: {  	s15 =	simm.s32 $0xE400;
	s16 =	simm.s32 $0x1;
	s17 =	simm.s32 $0x3  }
0x7: {  	s18 =	simm.s32 $0x200;
	s19 =	simm.s32 $0x2;
	s20 =	simm.s32 $0x6300  }
0x8: {  	s6 =	sand.u32 $0x1, s3;
	s28 =	sshll.u32 s1, $0x1;
	s9 =	smul.u32 $0x640000, s1  }
0x9: {  	s21 =	simm.s32 $0x0;
	s7 =	sor.u32 s6, s28;
	s12 =	smul.u32 $0x320000, s6  }
0xa: {  	[smem:$0x7FF] =	sst s2;
	s29 =	ssub.s32 $0x2, s6;
	s8 =	smul.u32 $0xC80, s7  }
0xb: {  	s3 =	sadd.s32 $0xF43200, s4;
	s7 =	smul.u32 $0x320000, s7;
	s10 =	sshrl.u32 s29, $0x1  }
0xc: {  	s11 =	sadd.s32 $0xE00, s4;
	_ =	strace $0x80000047;
	s30 =	ssub.s32 s29, s10  }
0xd: {  	s9 =	sadd.s32 s12, s9;
	s7 =	sshrl.u32 s7, $0x3;
	s4 =	sadd.s32 s5, s8  }
0xe: {  	s6 =	smax.u32 s30, $0x1;
	s31 =	sor.u32 $0x10000, s9;
	s12 =	sor.u32 $0x18000, s9  }
0xf: {  	s5 =	sadd.s32 s11, s7;
	s10 =	sshrl.u32 s31, $0x3;
	s12 =	sshrl.u32 s12, $0x3  }
0x10: {  	s7 =	sadd.s32 $0x1000, s5;
	s8 =	sadd.s32 $0x62000, s5;
	s9 =	sadd.s32 $0x63000, s5  }
0x11: {  	s10 =	sadd.s32 s10, s11;
	s11 =	sadd.s32 s12, s11;
	s12 =	simm.s32 $0x4  }
.LBB2_1:
0x12: {  	[tilespmem:s2], [sflag:$0x4] =	stream.linear.gather [hbm4b:s4+s2], $0x6400, $0x38;
	[tilespmem:$0x16400] =	vst v63  }
0x13: {  	_ =	swait.ge [sflag:s12], $0x6400  }
0x14: {  	[sflag:s12] =	ssyncset.done $0x0  }
0x15: {  	[sflag:s12] =	ssyncadd.s32 $0xFFFF9C00  }
0x16: {  	[tilespmem:s14], [sflag:$0x1] =	stream.indirect.gather [hbm4b:s3+s13], $0x80, s2, s13, $0xb8;
	[tilespmem:$0x16400] =	vst v63  }
0x17: {  	_ = 	snop  }
0x18: {  	[tilespmem:s15], [sflag:$0x2] =	stream.indirect.gather [hbm4b:s3+s13], $0x80, s13, s13, $0xb8;
	[tilespmem:$0x16400] =	vst v63  }
0x19: {  	_ =	swait.ge [sflag:s16], $0x8000  }
0x1a: {  	[sflag:s16] =	ssyncset.done $0x0  }
0x1b: {  	[sflag:s16] =	ssyncadd.s32 $0xFFFF8000  }
0x1c: {  	[hbm4b:s5+s2] =	stream.linear.scatter [tilespmem:s14], [sflag:$0x3], $0x8000, $0x38;
	[tilespmem:$0x16400] =	vst v63  }
0x1d: {  	_ =	swait.ge [sflag:s17], $0x8000  }
0x1e: {  	[sflag:s17] =	ssyncset.done $0x0  }
0x1f: {  	[sflag:s17] =	ssyncadd.s32 $0xFFFF8000  }
0x20: {  	[tilespmem:s14], [sflag:$0x1] =	stream.indirect.gather [hbm4b:s3+s13], $0x80, s18, s13, $0xb8;
	[tilespmem:$0x16400] =	vst v63  }
0x21: {  	_ =	swait.ge [sflag:s19], $0x8000  }
0x22: {  	[sflag:s19] =	ssyncset.done $0x0  }
0x23: {  	[sflag:s19] =	ssyncadd.s32 $0xFFFF8000  }
0x24: {  	[hbm4b:s7+s2] =	stream.linear.scatter [tilespmem:s15], [sflag:$0x3], $0x8000, $0x38;
	[tilespmem:$0x16400] =	vst v63  }
0x25: {  	_ =	swait.ge [sflag:s17], $0x8000  }
0x26: {  	[sflag:s17] =	ssyncset.done $0x0  }
0x27: {  	s22 =	simm.s32 $0x300;
	[sflag:s17] =	ssyncadd.s32 $0xFFFF8000  }
0x28: {  	[tilespmem:s15], [sflag:$0x2] =	stream.indirect.gather [hbm4b:s3+s13], $0x80, s22, s13, $0xb8;
	[tilespmem:$0x16400] =	vst v63  }
0x29: {  	_ =	swait.ge [sflag:s16], $0x8000  }
0x2a: {  	[sflag:s16] =	ssyncset.done $0x0  }
0x2b: {  	s30 =	sadd.s32 $0x0, s10;
	[sflag:s16] =	ssyncadd.s32 $0xFFFF8000  }
0x2c: {  	[hbm4b:s30+s2] =	stream.linear.scatter [tilespmem:s14], [sflag:$0x3], $0x8000, $0x38;
	[tilespmem:$0x16400] =	vst v63  }
0x2d: {  	_ =	swait.ge [sflag:s17], $0x8000  }
0x2e: {  	[sflag:s17] =	ssyncset.done $0x0  }
0x2f: {  	s31 =	simm.s32 $0x400;
	[sflag:s17] =	ssyncadd.s32 $0xFFFF8000  }
0x30: {  	[tilespmem:s14], [sflag:$0x1] =	stream.indirect.gather [hbm4b:s3+s13], $0x80, s31, s13, $0xb8;
	[tilespmem:$0x16400] =	vst v63  }
0x31: {  	_ =	swait.ge [sflag:s19], $0x8000  }
0x32: {  	s24 =	sadd.s32 $0x0, s11;
	[sflag:s19] =	ssyncset.done $0x0  }
0x33: {  	s23 =	simm.s32 $0x600;
	s22 =	simm.s32 $0x2000;
	[sflag:s19] =	ssyncadd.s32 $0xFFFF8000  }
.LBB2_2:
0x34: {  	[hbm4b:s24+s2] =	stream.linear.scatter [tilespmem:s15], [sflag:$0x3], $0x8000, $0x38;
	[tilespmem:$0x16400] =	vst v63  }
0x35: {  	s24 =	smov.u32 s22  }
0x36: {  	p0 =	sne.s32 s22, $0x5E000;
	s22 =	sadd.s32 $0x2000, s22;
	_ =	swait.ge [sflag:s17], $0x8000  }
0x37: {  	[sflag:s17] =	ssyncset.done $0x0  }
0x38: {  	s25 =	sadd.s32 $0xFFFFFF00, s23;
	[sflag:s17] =	ssyncadd.s32 $0xFFFF8000  }
0x39: {  	[tilespmem:s15], [sflag:$0x2] =	stream.indirect.gather [hbm4b:s3+s13], $0x80, s25, s13, $0xb8;
	[tilespmem:$0x16400] =	vst v63  }
0x3a: {  	_ =	swait.ge [sflag:s16], $0x8000  }
0x3b: {  	[sflag:s16] =	ssyncset.done $0x0  }
0x3c: {  	s25 =	sadd.s32 s24, s10;
	[sflag:s16] =	ssyncadd.s32 $0xFFFF8000  }
0x3d: {  	[hbm4b:s25+s2] =	stream.linear.scatter [tilespmem:s14], [sflag:$0x3], $0x8000, $0x38;
	[tilespmem:$0x16400] =	vst v63  }
0x3e: {  	_ =	swait.ge [sflag:s17], $0x8000  }
0x3f: {  	[sflag:s17] =	ssyncset.done $0x0  }
.Ltmp0:
0x40: {  	[sflag:s17] =	ssyncadd.s32 $0xFFFF8000;
	(pc) =	sbr.rel @p0 .LBB2_2-.Ltmp0, $4  }
0x41: {  	[tilespmem:s14], [sflag:$0x1] =	stream.indirect.gather [hbm4b:s3+s13], $0x80, s23, s13, $0xb8;
	[tilespmem:$0x16400] =	vst v63  }
0x42: {  	_ =	swait.ge [sflag:s19], $0x8000  }
0x43: {  	[sflag:s19] =	ssyncset.done $0x0  }
0x44: {  	s24 =	sadd.s32 s24, s11;
	s23 =	sadd.s32 $0x200, s23;
	[sflag:s19] =	ssyncadd.s32 $0xFFFF8000  }
0x45: {  	[hbm4b:s24+s2] =	stream.linear.scatter [tilespmem:s15], [sflag:$0x3], $0x8000, $0x38;
	[tilespmem:$0x16400] =	vst v63  }
0x46: {  	_ =	swait.ge [sflag:s17], $0x8000  }
0x47: {  	[sflag:s17] =	ssyncset.done $0x0  }
0x48: {  	[sflag:s17] =	ssyncadd.s32 $0xFFFF8000  }
0x49: {  	[tilespmem:s15], [sflag:$0x2] =	stream.indirect.gather [hbm4b:s3+s13], $0x80, s20, s13, $0xb8;
	[tilespmem:$0x16400] =	vst v63  }
0x4a: {  	_ =	swait.ge [sflag:s16], $0x8000  }
0x4b: {  	[sflag:s16] =	ssyncset.done $0x0  }
0x4c: {  	[sflag:s16] =	ssyncadd.s32 $0xFFFF8000  }
0x4d: {  	[hbm4b:s8+s2] =	stream.linear.scatter [tilespmem:s14], [sflag:$0x3], $0x8000, $0x38;
	[tilespmem:$0x16400] =	vst v63  }
0x4e: {  	_ =	swait.ge [sflag:s19], $0x8000  }
0x4f: {  	[sflag:s19] =	ssyncset.done $0x0  }
0x50: {  	s21 =	sadd.s32 $0x1, s21;
	[sflag:s19] =	ssyncadd.s32 $0xFFFF8000  }
0x51: {  	[hbm4b:s9+s2] =	stream.linear.scatter [tilespmem:s15], [sflag:$0x3], $0x8000, $0x38;
	[tilespmem:$0x16400] =	vst v63  }
0x52: {  	p0 =	sne.s32 s21, s6;
	_ =	swait.ge [sflag:s17], $0x8000  }
.Ltmp1:
0x53: {  	[sflag:s17] =	ssyncset.done $0x0;
	(pc) =	sbr.rel @p0 .LBB2_1-.Ltmp1, $4  }
0x54: {  	[sflag:s17] =	ssyncadd.s32 $0xFFFF8000  }
0x55: {  	_ =	swait.ge [sflag:s17], $0x8000  }
0x56: {  	[sflag:s17] =	ssyncset.done $0x0  }
0x57: {  	[sflag:s17] =	ssyncadd.s32 $0xFFFF8000  }
0x58: {  	_ =	sfence.sel $0x180000  }
0x59: {  	[bflag:$0x0] =	sbarrier.arrive $0xFFFF  }
0x5a: {  	p0 =	sne.s32 s1, $0x0;
	_ =	strace $0x90000047  }
0x5b: {  	s0 =	sadd.s32 @!p0 $0x100000, s0;
	[bflag:$0x2] =	sbarrier.arrive $0xFFFF  }
0x5c: {  	[sflag:s0] =	ssyncadd.tile.s32 @!p0 $0x1;
	_ =	shalt  }
.Lfunc_end2:
_tile_overlayer_lowered:
.L_overlay_start_2:
0x5d: {  	(tag) =	ssettag $0x2  }
0x5e: {  	s0 =	rddreg [dreg:$0x0];
	s2 =	stileid.u32  }
0x5f: {  	s1 =	rddreg [dreg:$0x1];
	p0 =	sne.s32 s2, $0x0  }
0x60: {  	s3 =	rddreg [dreg:$0x2];
	[bflag:$0x3] =	sbarrier.arrive $0xFFFF;
	s2 =	simm.s32 @!p0 $0x1C04  }
0x61: {  	[timem:s3], [sflag:s2] =	dma.local @!p0 [hbm:s0], s1  }
0x62: {  	s0 =	simm.s32 @!p0 $0x4  }
0x63: {  	_ =	swait.ge @!p0 [sflag:s0], s1  }
0x64: {  	s1 =	ssub.s32 @!p0 $0x0, s1;
	[sflag:s0] =	ssyncset.done @!p0 $0x0  }
0x65: {  	[sflag:s0] =	ssyncadd.s32 @!p0 s1  }
0x66: {  	[bflag:$0x3] =	sbarrier.arrive $0xFFFF  }
0x67: {  	_ =	shalt  }

// kernel: sparse-core-data-format-call.cloned.1.call-start
scs
called_computation_lowered:
.L_overlay_start_0:
0x0: {  	s2 =	sld [smem:$0x3FD9]  }
0x1: {  	s3 =	sld [smem:$0x3FFE];
	_ =	sdelay $0x1  }
0x2: {  	s1 =	srdreg.scid  }
0x3: {  	s0 =	sand.u32 $0x1, s1  }
0x4: {  	s18 =	sshll.u32 s0, $0xA;
	s2 =	sadd.s32 s3, s2  }
0x5: {  	s2 =	sadd.s32 s2, s18  }
0x6: {  	[smem:$0x3FC4] =	sst s2  }
0x7: {  	_ = 	snop  }
0x8: {  	s2 =	sld [smem:$0x3FD0];
	(tm) =	ssettm $0x1  }
0x9: {  	s19 =	sld [smem:$0x3FFB];
	_ =	sdelay $0x3  }
0xa: {  	_ =	strace s19  }
0xb: {  	s3 =	sld [smem:$0x3FFC];
	_ =	sdelay $0x3  }
0xc: {  	_ =	strace s3  }
0xd: {  	s3 =	sld [smem:$0x3FFD];
	_ =	sdelay $0x3  }
0xe: {  	_ =	strace s3  }
0xf: {  	_ =	strace $0x8FFFFFFF  }
0x10: {  	s20 =	sld [smem:$0x3FDB];
	_ =	sdelay $0x1  }
0x11: {  	s4 =	simm.s32 $_scs_section_size  }
0x12: {  	s5 =	simm.s32 $_size__tile_overlayer_lowered;
	s6 =	simm.s32 $_tile_overlayer_lowered  }
0x13: {  	s23 =	simm.s32 $0x1BFF;
	s22 =	sshll.u32 s6, $0x1;
	s3 =	sadd.s32 s4, s20  }
0x14: {  	s7 =	simm.s32 $0x0;
	s21 =	sshll.u32 s5, $0x1;
	s5 =	sadd.s32 s22, s3  }
0x15: {  	[timem:s7], [sflag:s23] =	dma.local [hbm:s5], s21  }
0x16: {  	_ =	swait.ge [sflag:s23], s21  }
0x17: {  	s4 =	ssub.s32 $0x0, s21;
	[sflag:s23] =	ssyncset.done $0x0  }
0x18: {  	[sflag:s23] =	ssyncadd.s32 s4;
	_ =	sdelay $0x1  }
0x19: {  	s24 =	simm.s32 $0x1B8B  }
0x1a: {  	_ =	swait.ge [sflag:s24], $0x1  }
0x1b: {  	[sflag:s24] =	ssyncset.done $0x0  }
0x1c: {  	s26 =	simm.s32 $0x1B8E;
	s25 =	sld [smem:$0x3FFE];
	[sflag:s24] =	ssyncadd.s32 $0xFFFFFFFF  }
0x1d: {  	s27 =	simm.s32 $execute0_lowered;
	[smem:$0x3FD2] =	sst s26  }
0x1e: {  	s5 =	sshll.u32 s27, $0x1;
	_ =	strace $0x80000049;
	[dreg:$0x1] =	wrdreg $0xFFFFFFFF  }
0x1f: {  	s28 =	simm.s32 $_size_execute0_lowered;
	s3 =	sadd.s32 s3, s5;
	[dreg:$0x0] =	wrdreg $0x0  }
0x20: {  	s5 =	sshll.u32 s28, $0x1;
	[dreg:$0x2] =	wrdreg s3  }
0x21: {  	[dreg:$0x3] =	wrdreg s5  }
0x22: {  	[dreg:$0x4] =	wrdreg $0xC0  }
0x23: {  	_ =	task [dreg:s7], $0x5FFFF  }
0x24: {  	[dreg:$0x1] =	wrdreg $0xFFFFFFFF  }
0x25: {  	[dreg:$0x0] =	wrdreg $0x60  }
0x26: {  	[dreg:$0x2] =	wrdreg s25  }
0x27: {  	[dreg:$0x3] =	wrdreg s2  }
0x28: {  	[dreg:$0x4] =	wrdreg $0x9  }
0x29: {  	_ =	task.clear_ibuf [dreg:s7], $0x5FFFF;
	_ =	strace $0x90000049  }
0x2a: {  	s29 =	simm.s32 $0x9;
	_ =	strace $0x8000004B  }
0x2b: {  	_ =	swait.ge [sflag:s29], $0x1  }
0x2c: {  	[sflag:s29] =	ssyncadd.s32 $0xFFFFFFFF  }
0x2d: {  	_ =	strace $0x9000004B  }
0x2e: {  	_ =	sfence  }
0x2f: {  	s30 =	sld [smem:$0x0];
	_ =	sdelay $0x2  }
0x30: {  	s31 =	sshll.u32 s1, $0xD;
	s1 =	sshrl.u32 s1, $0x2  }
0x31: {  	s3 =	sand.u32 $0x4000, s31;
	s1 =	sadd.s32 s1, s30  }
0x32: {  	s0 =	sor.u32 s3, s0;
	s1 =	sshll.u32 s1, $0x11  }
0x33: {  	s0 =	sor.u32 s1, s0  }
0x34: {  	s0 =	sadd.s32 $0x8F2B, s0  }
0x35: {  	[sflag:s0] =	ssyncadd.remote.s32 $0x1  }
0x36: {  	_ =	sfence.sel $0xFFFF  }
0x37: {  	[dreg:$0x0] =	wrdreg $0xFFFFFFFF;
	(pc) =	sbr.abs _section_cstart, $3  }
0x38: {  	[dreg:$0x1] =	wrdreg $0xFFFFFFFF  }
0x39: {  	_ =	task.clear_ibuf [dreg:s7], $0x2FFFF;
	_ =	strace $0x9FFFFFFF  }
0x3a: {  	(tm) =	ssettm $0x7FFFFFFF  }
0x3b: {  	_ =	shalt  }
tec
execute0_lowered:
.L_overlay_start_1:
0x0: {  	(tag) =	ssettag $0x1  }
0x1: {  	s0 =	srdreg.scid  }
0x2: {  	s1 =	sshll.u32 s0, $0x4  }
0x3: {  	s0 =	stileid.u32;
	s1 =	sand.u32 $0x10, s1  }
0x4: {  	s1 =	sor.u32 s0, s1  }
0x5: {  	s6 =	rddreg [dreg:$0x0];
	s4 =	simm.s32 $0x1;
	s2 =	sshll.u32 s1, $0x7  }
0x6: {  	s7 =	simm.s32 $0x2;
	s12 =	simm.s32 $0x0;
	s1 =	ssub.s32 $0x4000, s2  }
0x7: {  	s8 =	simm.s32 $0x20000;
	s13 =	simm.s32 $0x0;
	s3 =	sand.u32 $0xF80, s1  }
0x8: {  	s9 =	simm.s32 $0x0;
	s5 =	sshrl.u32 s1, $0xC;
	p0 =	sne.s32 s3, $0x0  }
.Ltmp0:
0x9: {  	s1 =	rddreg [dreg:$0x2];
	s4 =	simm.s32 @!p0 $0x0;
	(pc) =	sbr.rel .LBB1_1-.Ltmp0, $4  }
0xa: {  	s11 =	simm.s32 $0x0;
	s3 =	rddreg [dreg:$0x1];
	s5 =	sadd.s32 s4, s5  }
0xb: {  	_ =	strace $0x8000004A;
	s4 =	simm.s32 $0x1;
	s5 =	smul.u32 $0x32, s5  }
0xc: {  	s6 =	sadd.s32 $0xC80E00, s6;
	s10 =	smov.u32 s2;
	[sflag:s4] =	ssyncpa.u1 $0x0  }
0xd: {  	p0 =	por $0x0, $0x0;
	[sflag:s7] =	ssyncpa.u1 $0x0;
	s7 =	sor.u32 $0x1, s5  }
.LBB1_4:
0xe: {  	s16 =	sshll.u32 s13, $0x3;
	s17 =	sand.u32 $0x78, s13  }
0xf: {  	s30 =	sand.u32 $0x1F800, s13;
	s12 =	sshll.u32 s12, $0x11;
	s16 =	sand.u32 $0x3C00, s16  }
0x10: {  	[tilespmem:s15+$0x810 ss:$0x81] =	vst.msk $0xffff, v2;
	s31 =	sand.u32 $0x7, s13;
	s16 =	sor.u32 s17, s16;
	s17 =	sadd.s32 s3, s30  }
0x11: {  	[tilespmem:s15+$0x1020 ss:$0x81] =	vst.msk $0xffff, v0;
	s13 =	sshll.u32 s31, $0x12;
	s12 =	sadd.s32 s12, s17;
	s16 =	sshrl.u32 s16, $0x3  }
0x12: {  	[tilespmem:s15+$0x0 ss:$0x81] =	vst.msk $0xffff, v1;
	s13 =	sor.u32 $0x400, s13;
	s12 =	sadd.s32 s16, s12  }
0x13: {  	[hbm4b:s12+s13] =	stream.strided.scatter [tilespmem:s14], [sflag:$0x2], $0x2000, s8, s13, $0x20;
	[tilespmem:$0x8080] =	vst v63  }
.LBB1_5:
0x14: {  	s14 =	sadd.s32 $0x1, s9  }
0x15: {  	s12 =	sadd.s32 $0x1000, s10;
	s16 =	smov.u32 s10;
	p2 =	sgt.s32 s14, $0x31  }
0x16: {  	s16 =	smov.u32 @p2 s12  }
0x17: {  	s14 =	simm.s32 @p2 $0x0;
	p2 =	sgt.s32 s16, $0x3FFF  }
0x18: {  	s16 =	smov.u32 @p2 s2;
	p2 =	sne.s32 s11, s7  }
.Ltmp1:
0x19: {  	p1 =	slt.u32 s11, $0x2;
	(pc) =	sbr.rel @!p2 .LBB1_6-.Ltmp1, $4  }
0x1a: {  	s15 =	simm.s32 @!p1 $0x2  }
0x1b: {  	s13 =	smov.u32 s10;
	p0 =	por !p0, !p0;
	_ =	swait.ge @!p1 [sflag:s15], $0x2000  }
0x1c: {  	s12 =	smov.u32 s9;
	[sflag:s15] =	ssyncset.done @!p1 $0x0;
	s9 =	smov.u32 s14  }
0x1d: {  	s11 =	sadd.s32 $0x1, s11;
	[sflag:s15] =	ssyncadd.s32 @!p1 $0xFFFFE000;
	s10 =	smov.u32 s16  }
.LBB1_1:
0x1e: {  	p1 =	sge.u32 s11, s5  }
0x1f: {  	s14 =	sand.u32 @!p1 $0x1FFFFFF, s9  }
0x20: {  	s15 =	smulhi.u32 @!p1 $0x4924925, s14;
	_ =	sdelay $0x1  }
0x21: {  	s15 =	smul.u32 @!p1 $0x38, s15  }
0x22: {  	s16 =	sxor.u32 @!p1 $0xFFFFFFFF, s11;
	s17 =	smul.u32 @!p1 $0x380, s10  }
0x23: {  	s31 =	sadd.s32 $0xFFFFFFFF, s11;
	s16 =	sshll.u32 @!p1 s16, $0xD;
	s14 =	ssub.s32 @!p1 s14, s15  }
0x24: {  	s15 =	sand.u32 @!p1 $0x2000, s16;
	s16 =	sadd.s32 @!p1 s6, s17;
	s14 =	sshll.u32 @!p1 s14, $0x4  }
0x25: {  	s17 =	simm.s32 @!p1 $0x1C00;
	s14 =	sadd.s32 @!p1 s14, s16;
	s16 =	simm.s32 @!p1 $0x40  }
0x26: {  	[tilespmem:s15], [sflag:$0x1] =	stream.strided.gather @!p1 [hbm4b:s14+s16], $0x2000, s17, s16, $0x38;
	[tilespmem:$0x8080] =	vst v63  }
0x27: {  	p1 =	sge.u32 s31, s5  }
.Ltmp2:
0x28: {  	_ = 	snop;
	(pc) =	sbr.rel @p1 .LBB1_5-.Ltmp2, $1  }
0x29: {  	_ =	sdelay $0x3  }
0x2a: {  	s14 =	simm.s32 $0x1  }
0x2b: {  	_ =	swait.ge [sflag:s4], $0x2000;
	s14 =	simm.s32 @!p0 $0x0  }
0x2c: {  	[sflag:s4] =	ssyncset.done $0x0;
	s15 =	sshll.u32 s14, $0xD  }
0x2d: {  	[sflag:s4] =	ssyncadd.s32 $0xFFFFE000;
	s18 =	sor.u32 $0x20, s15  }
0x2e: {  	s14 =	smul.u32 $0x8100, s14;
	v3 =	vld [tilespmem:s18+$0x10]  }
0x2f: {  	s30 =	sand.u32 $0x1, s11;
	v2 =	vld [tilespmem:s18+$0xFFFFFFF0]  }
0x30: {  	s15 =	smul.u32 $0x8100, s30;
	s14 =	sshrl.u32 s14, $0x2;
	v0 =	vld [tilespmem:s18+$0x0]  }
0x31: {  	v1 =	vld [tilespmem:s18+$0xFFFFFFE0];
	s16 =	sor.u32 $0x4000, s14  }
0x32: {  	s31 =	sshrl.u32 s15, $0x2;
	s15 =	sadd.s32 $0x0, s16  }
0x33: {  	s17 =	simm.s32 $0x4;
	s18 =	sadd.s32 $0x40, s18;
	s14 =	sor.u32 $0x4000, s31;
	[tilespmem:s15+$0x1830 ss:$0x81] =	vst.msk $0xffff, v3  }
.LBB1_3:
0x34: {  	v3 =	vld [tilespmem:s18+$0x10];
	p1 =	sne.s32 s17, $0x1FC;
	[tilespmem:s15+$0x810 ss:$0x81] =	vst.msk $0xffff, v2;
	s19 =	smov.u32 s17;
	s17 =	sadd.s32 $0x4, s17  }
.Ltmp3:
0x35: {  	v2 =	vld [tilespmem:s18+$0xFFFFFFF0];
	[tilespmem:s15+$0x1020 ss:$0x81] =	vst.msk $0xffff, v0;
	(pc) =	sbr.rel @p1 .LBB1_3-.Ltmp3, $4  }
0x36: {  	v0 =	vld [tilespmem:s18+$0x0];
	[tilespmem:s15+$0x0 ss:$0x81] =	vst.msk $0xffff, v1  }
0x37: {  	s15 =	sshra.s32 s19, $0x2;
	v1 =	vld [tilespmem:s18+$0xFFFFFFE0]  }
0x38: {  	s15 =	sadd.s32 s15, s16  }
0x39: {  	s18 =	sadd.s32 $0x40, s18;
	[tilespmem:s15+$0x1830 ss:$0x81] =	vst.msk $0xffff, v3  }
.Ltmp4:
0x3a: {  	_ = 	snop;
	(pc) =	sbr.rel .LBB1_4-.Ltmp4, $1  }
0x3b: {  	_ =	sdelay $0x3  }
.LBB1_6:
0x3c: {  	_ =	sfence.sel $0x180000  }
0x3d: {  	s2 =	simm.s32 $0x1;
	[bflag:$0x0] =	sbarrier.arrive $0xFFFF  }
0x3e: {  	s31 =	simm.s32 $0x2;
	[sflag:s2] =	ssyncpa.u1 $0x1  }
0x3f: {  	[sflag:s31] =	ssyncpa.u1 $0x1  }
0x40: {  	p0 =	sne.s32 s0, $0x0;
	_ =	strace $0x9000004A  }
0x41: {  	s0 =	sadd.s32 @!p0 $0x100000, s1;
	[bflag:$0x2] =	sbarrier.arrive $0xFFFF  }
0x42: {  	[sflag:s0] =	ssyncadd.tile.s32 @!p0 $0x1;
	_ =	shalt  }
.Lfunc_end1:
_tile_overlayer_lowered:
.L_overlay_start_2:
0x43: {  	(tag) =	ssettag $0x2  }
0x44: {  	s0 =	rddreg [dreg:$0x0];
	s2 =	stileid.u32  }
0x45: {  	s1 =	rddreg [dreg:$0x1];
	p0 =	sne.s32 s2, $0x0  }
0x46: {  	s3 =	rddreg [dreg:$0x2];
	[bflag:$0x3] =	sbarrier.arrive $0xFFFF;
	s2 =	simm.s32 @!p0 $0x1C01  }
0x47: {  	[timem:s3], [sflag:s2] =	dma.local @!p0 [hbm:s0], s1  }
0x48: {  	s0 =	simm.s32 @!p0 $0x1  }
0x49: {  	_ =	swait.ge @!p0 [sflag:s0], s1  }
0x4a: {  	s1 =	ssub.s32 @!p0 $0x0, s1;
	[sflag:s0] =	ssyncset.done @!p0 $0x0  }
0x4b: {  	[sflag:s0] =	ssyncadd.s32 @!p0 s1  }
0x4c: {  	[bflag:$0x3] =	sbarrier.arrive $0xFFFF  }
0x4d: {  	_ =	shalt  }

</sc_bundles>
